<compile_context>
chip_gen: v7x
topology: tpu7x:2x2x1
jax: 0.10.2.dev20260603
libtpu: 0.0.44.dev20260713+nightly
codegen_flags: <defaults>
</compile_context>

<pallas_src>
import jax
import jax.numpy as jnp
from jax import lax
from jax.experimental import pallas as pl
from jax.experimental.pallas import tpu as pltpu
from jax.experimental.pallas import tpu_sc as plsc

L = 8192
D = 128
VOCAB = 21
LANES = 16
NC, NS = 1, 16
NW = NC * NS
CHUNK = L // NW
NVEC = CHUNK // LANES


def _sc_hist(idx_hbm, out_hbm, idx_v, hist_v, sem):
    wid = lax.axis_index("s") * NC + lax.axis_index("c")
    base = wid * CHUNK
    cp = pltpu.async_copy(idx_hbm.at[pl.ds(base, CHUNK)], idx_v, sem)

    zeros = jnp.zeros((LANES,), jnp.int32)
    for b in range(VOCAB):
        hist_v[pl.ds(b * LANES, LANES)] = zeros
    cp.wait()

    ones = jnp.ones((LANES,), jnp.int32)
    lane = lax.iota(jnp.int32, LANES)

    def body(i, carry):
        v = idx_v[pl.ds(i * LANES, LANES)]
        plsc.addupdate_scatter(hist_v, [v * LANES + lane], ones)
        return carry

    lax.fori_loop(0, NVEC, body, 0)
    pltpu.sync_copy(hist_v, out_hbm.at[wid])


_sc_hist_call = pl.kernel(
    _sc_hist,
    out_type=jax.ShapeDtypeStruct((NW, VOCAB * LANES), jnp.int32),
    mesh=plsc.VectorSubcoreMesh(
        core_axis_name="c", subcore_axis_name="s",
        num_cores=NC, num_subcores=NS),
    scratch_types=[
        pltpu.VMEM((CHUNK,), jnp.int32),
        pltpu.VMEM((VOCAB * LANES,), jnp.int32),
        pltpu.SemaphoreType.DMA,
    ],
    compiler_params=pltpu.CompilerParams(needs_layout_passes=False),
)


def _tc_mlp(ph_ref, tab_ref, gamma_ref, beta_ref, w1_ref, b1_ref, w2_ref,
            b2_ref, out_ref):
    c = jnp.sum(ph_ref[:].astype(jnp.float32), axis=0,
                keepdims=True)
    pooled = jnp.zeros((1, D), jnp.float32)
    for b in range(VOCAB):
        cnt = jnp.sum(c[:, b * LANES:(b + 1) * LANES])
        pooled = pooled + cnt * tab_ref[pl.ds(b, 1), :]
    pooled = pooled * (1.0 / L)

    mu = jnp.mean(pooled)
    var = jnp.mean((pooled - mu) ** 2)
    xn = (pooled - mu) * lax.rsqrt(var + 1e-5)
    xn = xn * gamma_ref[:] + beta_ref[:]

    h = jnp.dot(xn, w1_ref[:], preferred_element_type=jnp.float32) + b1_ref[:]
    h = 0.5 * h * (1.0 + lax.erf(h * (2.0 ** -0.5)))
    out = jnp.dot(h, w2_ref[:], preferred_element_type=jnp.float32) + b2_ref[:]
    out_ref[:] = out


def kernel(idxs, emb_table, ln_gamma, ln_beta, W1, b1, W2, b2):
    ph = _sc_hist_call(idxs.astype(jnp.int32))
    out = pl.pallas_call(
        _tc_mlp,
        out_shape=jax.ShapeDtypeStruct((1, D), jnp.float32),
    )(ph, emb_table, ln_gamma.reshape(1, D), ln_beta.reshape(1, D),
      W1, b1.reshape(1, 2 * D), W2, b2.reshape(1, D))
    return out.reshape(D)

# --- scband reference (transcript-rebuilt; emitter-appended) ---
"""Pipeline reference for scband-protein-conditioner-37890201485768 (READ-ONLY COPY).

The authoritative reference and input builder live on the scoring server;
editing this copy changes nothing except your own understanding.
"""

import jax, jax.numpy as jnp
import numpy as np

L = 8192
D = 128
OUT = 128
VOCAB = 21


def setup_inputs(seed: int = 0) -> dict:
    key = jax.random.key(seed)
    k1, k2, k3, k4 = jax.random.split(key, 4)
    idxs = jax.random.randint(k1, (L,), 0, VOCAB, dtype=jnp.int64 if jax.config.jax_enable_x64 else jnp.int32)
    emb_table = jax.random.normal(k2, (VOCAB, D), dtype=jnp.float32) * 0.02
    ln_gamma = jnp.ones((D,), dtype=jnp.float32)
    ln_beta = jnp.zeros((D,), dtype=jnp.float32)
    W1 = jax.random.normal(k3, (D, 2 * D), dtype=jnp.float32) * (1.0 / np.sqrt(D))
    b1 = jnp.zeros((2 * D,), dtype=jnp.float32)
    W2 = jax.random.normal(k4, (2 * D, OUT), dtype=jnp.float32) * (1.0 / np.sqrt(2 * D))
    b2 = jnp.zeros((OUT,), dtype=jnp.float32)
    return {"idxs": idxs, "emb_table": emb_table, "ln_gamma": ln_gamma, "ln_beta": ln_beta, "W1": W1, "b1": b1, "W2": W2, "b2": b2}


def reference(idxs, emb_table, ln_gamma, ln_beta, W1, b1, W2, b2):
    # embedding gather: [L, D]
    emb = jnp.take(emb_table, idxs, axis=0)
    # mean pool over sequence: [D]
    pooled = jnp.mean(emb, axis=0)
    # LayerNorm(d_embed), eps=1e-5 (PyTorch default)
    mu = jnp.mean(pooled)
    var = jnp.mean((pooled - mu) ** 2)
    xn = (pooled - mu) / jnp.sqrt(var + 1e-5)
    xn = xn * ln_gamma + ln_beta
    # Linear -> GELU (exact erf, PyTorch default) -> Linear
    h = xn @ W1 + b1
    h = jax.nn.gelu(h, approximate=False)
    out = h @ W2 + b2
    return out

if __name__ == "__main__":
    import jax
    _d = setup_inputs()
    print(jax.jit(kernel)(*tuple(_d.values())))

</pallas_src>

<mosaic_0001>
#map = affine_map<(d0, d1) -> (0)>
#map1 = affine_map<(d0, d1) -> (0, 0)>
module attributes {stable_mosaic.version = 14 : i64} {
  func.func @_sc_hist(%arg0: i32, %arg1: i32, %arg2: memref<8192xi32, #tpu.memory_space<hbm>>, %arg3: memref<16x336xi32, #tpu.memory_space<hbm>>, %arg4: memref<512xi32, #tpu.memory_space<vmem>>, %arg5: memref<336xi32, #tpu.memory_space<vmem>>, %arg6: memref<!tpu.dma_semaphore, #tpu.memory_space<semaphore_mem>>) attributes {dimension_semantics = [#tpu.dimension_semantics<core_parallel>, #tpu.dimension_semantics<subcore_parallel>], iteration_bounds = array<i64: 1, 16>, scalar_prefetch = 0 : i64, scratch_operands = 3 : i64, tpu.core_type = #tpu.core_type<sc_vector_subcore>, window_params = [{transform_indices = #map}, {transform_indices = #map1}]} {
    %mul3A = arith.constant 1 : i32
    %mul3A_0 = arith.muli %arg1, %mul3A : i32
    %add3A = arith.addi %mul3A_0, %arg0 : i32
    %mul3A_1 = arith.constant 512 : i32
    %mul3A_2 = arith.muli %add3A, %mul3A_1 : i32
    %dma_start3A = tpu.memref_slice %arg2[%mul3A_2] : memref<8192xi32, #tpu.memory_space<hbm>> -> memref<512xi32, #tpu.memory_space<hbm>>
    %dma_start3A_3 = tpu.memref_slice %arg2[%mul3A_2] : memref<8192xi32, #tpu.memory_space<hbm>> -> memref<512xi32, #tpu.memory_space<hbm>>
    tpu.enqueue_dma source(%dma_start3A_3 : memref<512xi32, #tpu.memory_space<hbm>>) target(%arg4 : memref<512xi32, #tpu.memory_space<vmem>>) target_semaphore(%arg6 : memref<!tpu.dma_semaphore, #tpu.memory_space<semaphore_mem>>)
    %broadcast_in_dim3A = arith.constant 0 : i32
    %broadcast_in_dim3A_4 = vector.broadcast %broadcast_in_dim3A : i32 to vector<16xi32>
    %swap3A = arith.constant 0 : index
    %swap3A_5 = tpu.vector_load %arg5[%swap3A] {strides = array<i32>} : memref<336xi32, #tpu.memory_space<vmem>>, vector<16xi32>,
    tpu.vector_store %arg5[%swap3A], %broadcast_in_dim3A_4 {strides = array<i32>} : memref<336xi32, #tpu.memory_space<vmem>>, vector<16xi32>,
    %swap3A_6 = arith.constant 16 : index
    %swap3A_7 = tpu.vector_load %arg5[%swap3A_6] {strides = array<i32>} : memref<336xi32, #tpu.memory_space<vmem>>, vector<16xi32>,
    tpu.vector_store %arg5[%swap3A_6], %broadcast_in_dim3A_4 {strides = array<i32>} : memref<336xi32, #tpu.memory_space<vmem>>, vector<16xi32>,
    %swap3A_8 = arith.constant 32 : index
    %swap3A_9 = tpu.vector_load %arg5[%swap3A_8] {strides = array<i32>} : memref<336xi32, #tpu.memory_space<vmem>>, vector<16xi32>,
    tpu.vector_store %arg5[%swap3A_8], %broadcast_in_dim3A_4 {strides = array<i32>} : memref<336xi32, #tpu.memory_space<vmem>>, vector<16xi32>,
    %swap3A_10 = arith.constant 48 : index
    %swap3A_11 = tpu.vector_load %arg5[%swap3A_10] {strides = array<i32>} : memref<336xi32, #tpu.memory_space<vmem>>, vector<16xi32>,
    tpu.vector_store %arg5[%swap3A_10], %broadcast_in_dim3A_4 {strides = array<i32>} : memref<336xi32, #tpu.memory_space<vmem>>, vector<16xi32>,
    %swap3A_12 = arith.constant 64 : index
    %swap3A_13 = tpu.vector_load %arg5[%swap3A_12] {strides = array<i32>} : memref<336xi32, #tpu.memory_space<vmem>>, vector<16xi32>,
    tpu.vector_store %arg5[%swap3A_12], %broadcast_in_dim3A_4 {strides = array<i32>} : memref<336xi32, #tpu.memory_space<vmem>>, vector<16xi32>,
    %swap3A_14 = arith.constant 80 : index
    %swap3A_15 = tpu.vector_load %arg5[%swap3A_14] {strides = array<i32>} : memref<336xi32, #tpu.memory_space<vmem>>, vector<16xi32>,
    tpu.vector_store %arg5[%swap3A_14], %broadcast_in_dim3A_4 {strides = array<i32>} : memref<336xi32, #tpu.memory_space<vmem>>, vector<16xi32>,
    %swap3A_16 = arith.constant 96 : index
    %swap3A_17 = tpu.vector_load %arg5[%swap3A_16] {strides = array<i32>} : memref<336xi32, #tpu.memory_space<vmem>>, vector<16xi32>,
    tpu.vector_store %arg5[%swap3A_16], %broadcast_in_dim3A_4 {strides = array<i32>} : memref<336xi32, #tpu.memory_space<vmem>>, vector<16xi32>,
    %swap3A_18 = arith.constant 112 : index
    %swap3A_19 = tpu.vector_load %arg5[%swap3A_18] {strides = array<i32>} : memref<336xi32, #tpu.memory_space<vmem>>, vector<16xi32>,
    tpu.vector_store %arg5[%swap3A_18], %broadcast_in_dim3A_4 {strides = array<i32>} : memref<336xi32, #tpu.memory_space<vmem>>, vector<16xi32>,
    %swap3A_20 = arith.constant 128 : index
    %swap3A_21 = tpu.vector_load %arg5[%swap3A_20] {strides = array<i32>} : memref<336xi32, #tpu.memory_space<vmem>>, vector<16xi32>,
    tpu.vector_store %arg5[%swap3A_20], %broadcast_in_dim3A_4 {strides = array<i32>} : memref<336xi32, #tpu.memory_space<vmem>>, vector<16xi32>,
    %swap3A_22 = arith.constant 144 : index
    %swap3A_23 = tpu.vector_load %arg5[%swap3A_22] {strides = array<i32>} : memref<336xi32, #tpu.memory_space<vmem>>, vector<16xi32>,
    tpu.vector_store %arg5[%swap3A_22], %broadcast_in_dim3A_4 {strides = array<i32>} : memref<336xi32, #tpu.memory_space<vmem>>, vector<16xi32>,
    %swap3A_24 = arith.constant 160 : index
    %swap3A_25 = tpu.vector_load %arg5[%swap3A_24] {strides = array<i32>} : memref<336xi32, #tpu.memory_space<vmem>>, vector<16xi32>,
    tpu.vector_store %arg5[%swap3A_24], %broadcast_in_dim3A_4 {strides = array<i32>} : memref<336xi32, #tpu.memory_space<vmem>>, vector<16xi32>,
    %swap3A_26 = arith.constant 176 : index
    %swap3A_27 = tpu.vector_load %arg5[%swap3A_26] {strides = array<i32>} : memref<336xi32, #tpu.memory_space<vmem>>, vector<16xi32>,
    tpu.vector_store %arg5[%swap3A_26], %broadcast_in_dim3A_4 {strides = array<i32>} : memref<336xi32, #tpu.memory_space<vmem>>, vector<16xi32>,
    %swap3A_28 = arith.constant 192 : index
    %swap3A_29 = tpu.vector_load %arg5[%swap3A_28] {strides = array<i32>} : memref<336xi32, #tpu.memory_space<vmem>>, vector<16xi32>,
    tpu.vector_store %arg5[%swap3A_28], %broadcast_in_dim3A_4 {strides = array<i32>} : memref<336xi32, #tpu.memory_space<vmem>>, vector<16xi32>,
    %swap3A_30 = arith.constant 208 : index
    %swap3A_31 = tpu.vector_load %arg5[%swap3A_30] {strides = array<i32>} : memref<336xi32, #tpu.memory_space<vmem>>, vector<16xi32>,
    tpu.vector_store %arg5[%swap3A_30], %broadcast_in_dim3A_4 {strides = array<i32>} : memref<336xi32, #tpu.memory_space<vmem>>, vector<16xi32>,
    %swap3A_32 = arith.constant 224 : index
    %swap3A_33 = tpu.vector_load %arg5[%swap3A_32] {strides = array<i32>} : memref<336xi32, #tpu.memory_space<vmem>>, vector<16xi32>,
    tpu.vector_store %arg5[%swap3A_32], %broadcast_in_dim3A_4 {strides = array<i32>} : memref<336xi32, #tpu.memory_space<vmem>>, vector<16xi32>,
    %swap3A_34 = arith.constant 240 : index
    %swap3A_35 = tpu.vector_load %arg5[%swap3A_34] {strides = array<i32>} : memref<336xi32, #tpu.memory_space<vmem>>, vector<16xi32>,
    tpu.vector_store %arg5[%swap3A_34], %broadcast_in_dim3A_4 {strides = array<i32>} : memref<336xi32, #tpu.memory_space<vmem>>, vector<16xi32>,
    %swap3A_36 = arith.constant 256 : index
    %swap3A_37 = tpu.vector_load %arg5[%swap3A_36] {strides = array<i32>} : memref<336xi32, #tpu.memory_space<vmem>>, vector<16xi32>,
    tpu.vector_store %arg5[%swap3A_36], %broadcast_in_dim3A_4 {strides = array<i32>} : memref<336xi32, #tpu.memory_space<vmem>>, vector<16xi32>,
    %swap3A_38 = arith.constant 272 : index
    %swap3A_39 = tpu.vector_load %arg5[%swap3A_38] {strides = array<i32>} : memref<336xi32, #tpu.memory_space<vmem>>, vector<16xi32>,
    tpu.vector_store %arg5[%swap3A_38], %broadcast_in_dim3A_4 {strides = array<i32>} : memref<336xi32, #tpu.memory_space<vmem>>, vector<16xi32>,
    %swap3A_40 = arith.constant 288 : index
    %swap3A_41 = tpu.vector_load %arg5[%swap3A_40] {strides = array<i32>} : memref<336xi32, #tpu.memory_space<vmem>>, vector<16xi32>,
    tpu.vector_store %arg5[%swap3A_40], %broadcast_in_dim3A_4 {strides = array<i32>} : memref<336xi32, #tpu.memory_space<vmem>>, vector<16xi32>,
    %swap3A_42 = arith.constant 304 : index
    %swap3A_43 = tpu.vector_load %arg5[%swap3A_42] {strides = array<i32>} : memref<336xi32, #tpu.memory_space<vmem>>, vector<16xi32>,
    tpu.vector_store %arg5[%swap3A_42], %broadcast_in_dim3A_4 {strides = array<i32>} : memref<336xi32, #tpu.memory_space<vmem>>, vector<16xi32>,
    %swap3A_44 = arith.constant 320 : index
    %swap3A_45 = tpu.vector_load %arg5[%swap3A_44] {strides = array<i32>} : memref<336xi32, #tpu.memory_space<vmem>>, vector<16xi32>,
    tpu.vector_store %arg5[%swap3A_44], %broadcast_in_dim3A_4 {strides = array<i32>} : memref<336xi32, #tpu.memory_space<vmem>>, vector<16xi32>,
    %dma_wait3A = tpu.memref_slice %arg2[%mul3A_2] : memref<8192xi32, #tpu.memory_space<hbm>> -> memref<512xi32, #tpu.memory_space<hbm>>
    %dma_wait3A_46 = tpu.memref_slice %arg2[%mul3A_2] : memref<8192xi32, #tpu.memory_space<hbm>> -> memref<512xi32, #tpu.memory_space<hbm>>
    tpu.wait_dma2 semaphore(%arg6 : memref<!tpu.dma_semaphore, #tpu.memory_space<semaphore_mem>>) src(%dma_wait3A_46 : memref<512xi32, #tpu.memory_space<hbm>>) dst(%arg4 : memref<512xi32, #tpu.memory_space<vmem>>)
    %broadcast_in_dim3A_47 = arith.constant 1 : i32
    %broadcast_in_dim3A_48 = vector.broadcast %broadcast_in_dim3A_47 : i32 to vector<16xi32>
    %iota3A = tpu.iota {dimensions = array<i32: 0>} : vector<16xi32>
    %scan3A = arith.constant 0 : i32
    %scan3A_49 = arith.constant 0 : i32
    %scan3A_50 = arith.constant 32 : i32
    %scan3A_51 = arith.addi %scan3A_49, %scan3A_50 : i32
    %scan3A_52 = arith.constant 1 : i32
    scf.for %scan3A_54 = %scan3A_49 to %scan3A_51 step %scan3A_52  : i32 {
      %mul3A_55 = arith.constant 16 : i32
      %mul3A_56 = arith.muli %scan3A_54, %mul3A_55 : i32
      %get3A = arith.index_cast %mul3A_56 : i32 to index
      %get3A_57 = tpu.vector_load %arg4[%get3A] {strides = array<i32>} : memref<512xi32, #tpu.memory_space<vmem>>, vector<16xi32>,
      %mul3A_58 = arith.constant 16 : i32
      %mul3A_59 = vector.broadcast %mul3A_58 : i32 to vector<16xi32>
      %mul3A_60 = arith.muli %get3A_57, %mul3A_59 : vector<16xi32>
      %add3A_61 = arith.addi %mul3A_60, %iota3A : vector<16xi32>
      tpu.vector_store_idx %arg5[%add3A_61], %broadcast_in_dim3A_48 {add = true} : memref<336xi32, #tpu.memory_space<vmem>>[vector<16xi32>], vector<16xi32>,
    }
    %scan3A_53 = arith.constant 32 : i32
    "tpu.region"() ({
      %run_scoped3A = tpu.sem_alloc : memref<!tpu.dma_semaphore, #tpu.memory_space<semaphore_mem>>
      %dma_start3A_54 = arith.constant 0 : i32
      %dma_start3A_55 = tpu.memref_slice %arg3[%add3A, %dma_start3A_54] : memref<16x336xi32, #tpu.memory_space<hbm>> -> memref<1x336xi32, #tpu.memory_space<hbm>>
      %dma_start3A_56 = tpu.memref_squeeze %dma_start3A_55 : memref<1x336xi32, #tpu.memory_space<hbm>> -> memref<336xi32, #tpu.memory_space<hbm>>
      %dma_start3A_57 = arith.constant 0 : i32
      %dma_start3A_58 = tpu.memref_slice %arg3[%add3A, %dma_start3A_57] : memref<16x336xi32, #tpu.memory_space<hbm>> -> memref<1x336xi32, #tpu.memory_space<hbm>>
      %dma_start3A_59 = tpu.memref_squeeze %dma_start3A_58 : memref<1x336xi32, #tpu.memory_space<hbm>> -> memref<336xi32, #tpu.memory_space<hbm>>
      tpu.enqueue_dma source(%arg5 : memref<336xi32, #tpu.memory_space<vmem>>) target(%dma_start3A_59 : memref<336xi32, #tpu.memory_space<hbm>>) target_semaphore(%run_scoped3A : memref<!tpu.dma_semaphore, #tpu.memory_space<semaphore_mem>>)
      %dma_wait3A_60 = arith.constant 0 : i32
      %dma_wait3A_61 = tpu.memref_slice %arg3[%add3A, %dma_wait3A_60] : memref<16x336xi32, #tpu.memory_space<hbm>> -> memref<1x336xi32, #tpu.memory_space<hbm>>
      %dma_wait3A_62 = tpu.memref_squeeze %dma_wait3A_61 : memref<1x336xi32, #tpu.memory_space<hbm>> -> memref<336xi32, #tpu.memory_space<hbm>>
      %dma_wait3A_63 = arith.constant 0 : i32
      %dma_wait3A_64 = tpu.memref_slice %arg3[%add3A, %dma_wait3A_63] : memref<16x336xi32, #tpu.memory_space<hbm>> -> memref<1x336xi32, #tpu.memory_space<hbm>>
      %dma_wait3A_65 = tpu.memref_squeeze %dma_wait3A_64 : memref<1x336xi32, #tpu.memory_space<hbm>> -> memref<336xi32, #tpu.memory_space<hbm>>
      tpu.wait_dma2 semaphore(%run_scoped3A : memref<!tpu.dma_semaphore, #tpu.memory_space<semaphore_mem>>) src(%arg5 : memref<336xi32, #tpu.memory_space<vmem>>) dst(%dma_wait3A_65 : memref<336xi32, #tpu.memory_space<hbm>>)
      tpu.yield
    }) : () -> ()
    return
  }
}

module attributes {stable_mosaic.version = 14 : i64} {
  func.func @_tc_mlp(%arg0: memref<16x336xi32, #tpu.memory_space<vmem>>, %arg1: memref<21x128xf32, #tpu.memory_space<vmem>>, %arg2: memref<1x128xf32, #tpu.memory_space<vmem>>, %arg3: memref<1x128xf32, #tpu.memory_space<vmem>>, %arg4: memref<128x256xf32, #tpu.memory_space<vmem>>, %arg5: memref<1x256xf32, #tpu.memory_space<vmem>>, %arg6: memref<256x128xf32, #tpu.memory_space<vmem>>, %arg7: memref<1x128xf32, #tpu.memory_space<vmem>>, %arg8: memref<1x128xf32, #tpu.memory_space<vmem>>) attributes {dimension_semantics = [], scalar_prefetch = 0 : i64, scratch_operands = 0 : i64, tpu.core_type = #tpu.core_type<tc>} {
    %get3A = arith.constant 0 : index
    %get3A_0 = arith.constant 0 : index
    %get3A_1 = vector.load %arg0[%get3A, %get3A_0] : memref<16x336xi32, #tpu.memory_space<vmem>>, vector<16x336xi32>
    %convert_element_type3A = arith.sitofp %get3A_1 : vector<16x336xi32> to vector<16x336xf32>
    %reduce_sum3A = arith.constant dense<0.000000e+00> : vector<336xf32>
    %reduce_sum3A_2 = vector.multi_reduction <add>, %convert_element_type3A, %reduce_sum3A [0] : vector<16x336xf32> to vector<336xf32>
    %broadcast_in_dim3A = vector.shape_cast %reduce_sum3A_2 : vector<336xf32> to vector<1x336xf32>
    %broadcast_in_dim3A_3 = arith.constant 0.000000e+00 : f32
    %broadcast_in_dim3A_4 = vector.broadcast %broadcast_in_dim3A_3 : f32 to vector<1x128xf32>
    %slice3A = vector.extract_strided_slice %broadcast_in_dim3A {offsets = [0, 0], sizes = [1, 16], strides = [1, 1]} : vector<1x336xf32> to vector<1x16xf32>
    %reduce_sum3A_5 = vector.shape_cast %slice3A : vector<1x16xf32> to vector<1x1x16xf32>
    %reduce_sum3A_6 = arith.constant dense<0.000000e+00> : vector<1xf32>
    %reduce_sum3A_7 = vector.multi_reduction <add>, %reduce_sum3A_5, %reduce_sum3A_6 [1, 2] : vector<1x1x16xf32> to vector<1xf32>
    %reduce_sum3A_8 = vector.shape_cast %reduce_sum3A_7 : vector<1xf32> to vector<1x1x1xf32>
    %reduce_sum3A_9 = vector.extract %reduce_sum3A_8[0, 0, 0] : f32 from vector<1x1x1xf32>
    %get3A_10 = arith.constant 0 : index
    %get3A_11 = arith.constant 0 : index
    %get3A_12 = vector.load %arg1[%get3A_10, %get3A_11] : memref<21x128xf32, #tpu.memory_space<vmem>>, vector<1x128xf32>
    %mul3A = vector.broadcast %reduce_sum3A_9 : f32 to vector<1x128xf32>
    %mul3A_13 = arith.mulf %mul3A, %get3A_12 : vector<1x128xf32>
    %add3A = arith.addf %broadcast_in_dim3A_4, %mul3A_13 : vector<1x128xf32>
    %slice3A_14 = vector.extract_strided_slice %broadcast_in_dim3A {offsets = [0, 16], sizes = [1, 16], strides = [1, 1]} : vector<1x336xf32> to vector<1x16xf32>
    %reduce_sum3A_15 = vector.shape_cast %slice3A_14 : vector<1x16xf32> to vector<1x1x16xf32>
    %reduce_sum3A_16 = arith.constant dense<0.000000e+00> : vector<1xf32>
    %reduce_sum3A_17 = vector.multi_reduction <add>, %reduce_sum3A_15, %reduce_sum3A_16 [1, 2] : vector<1x1x16xf32> to vector<1xf32>
    %reduce_sum3A_18 = vector.shape_cast %reduce_sum3A_17 : vector<1xf32> to vector<1x1x1xf32>
    %reduce_sum3A_19 = vector.extract %reduce_sum3A_18[0, 0, 0] : f32 from vector<1x1x1xf32>
    %get3A_20 = arith.constant 1 : index
    %get3A_21 = arith.constant 0 : index
    %get3A_22 = vector.load %arg1[%get3A_20, %get3A_21] : memref<21x128xf32, #tpu.memory_space<vmem>>, vector<1x128xf32>
    %mul3A_23 = vector.broadcast %reduce_sum3A_19 : f32 to vector<1x128xf32>
    %mul3A_24 = arith.mulf %mul3A_23, %get3A_22 : vector<1x128xf32>
    %add3A_25 = arith.addf %add3A, %mul3A_24 : vector<1x128xf32>
    %slice3A_26 = vector.extract_strided_slice %broadcast_in_dim3A {offsets = [0, 32], sizes = [1, 16], strides = [1, 1]} : vector<1x336xf32> to vector<1x16xf32>
    %reduce_sum3A_27 = vector.shape_cast %slice3A_26 : vector<1x16xf32> to vector<1x1x16xf32>
    %reduce_sum3A_28 = arith.constant dense<0.000000e+00> : vector<1xf32>
    %reduce_sum3A_29 = vector.multi_reduction <add>, %reduce_sum3A_27, %reduce_sum3A_28 [1, 2] : vector<1x1x16xf32> to vector<1xf32>
    %reduce_sum3A_30 = vector.shape_cast %reduce_sum3A_29 : vector<1xf32> to vector<1x1x1xf32>
    %reduce_sum3A_31 = vector.extract %reduce_sum3A_30[0, 0, 0] : f32 from vector<1x1x1xf32>
    %get3A_32 = arith.constant 2 : index
    %get3A_33 = arith.constant 0 : index
    %get3A_34 = vector.load %arg1[%get3A_32, %get3A_33] : memref<21x128xf32, #tpu.memory_space<vmem>>, vector<1x128xf32>
    %mul3A_35 = vector.broadcast %reduce_sum3A_31 : f32 to vector<1x128xf32>
    %mul3A_36 = arith.mulf %mul3A_35, %get3A_34 : vector<1x128xf32>
    %add3A_37 = arith.addf %add3A_25, %mul3A_36 : vector<1x128xf32>
    %slice3A_38 = vector.extract_strided_slice %broadcast_in_dim3A {offsets = [0, 48], sizes = [1, 16], strides = [1, 1]} : vector<1x336xf32> to vector<1x16xf32>
    %reduce_sum3A_39 = vector.shape_cast %slice3A_38 : vector<1x16xf32> to vector<1x1x16xf32>
    %reduce_sum3A_40 = arith.constant dense<0.000000e+00> : vector<1xf32>
    %reduce_sum3A_41 = vector.multi_reduction <add>, %reduce_sum3A_39, %reduce_sum3A_40 [1, 2] : vector<1x1x16xf32> to vector<1xf32>
    %reduce_sum3A_42 = vector.shape_cast %reduce_sum3A_41 : vector<1xf32> to vector<1x1x1xf32>
    %reduce_sum3A_43 = vector.extract %reduce_sum3A_42[0, 0, 0] : f32 from vector<1x1x1xf32>
    %get3A_44 = arith.constant 3 : index
    %get3A_45 = arith.constant 0 : index
    %get3A_46 = vector.load %arg1[%get3A_44, %get3A_45] : memref<21x128xf32, #tpu.memory_space<vmem>>, vector<1x128xf32>
    %mul3A_47 = vector.broadcast %reduce_sum3A_43 : f32 to vector<1x128xf32>
    %mul3A_48 = arith.mulf %mul3A_47, %get3A_46 : vector<1x128xf32>
    %add3A_49 = arith.addf %add3A_37, %mul3A_48 : vector<1x128xf32>
    %slice3A_50 = vector.extract_strided_slice %broadcast_in_dim3A {offsets = [0, 64], sizes = [1, 16], strides = [1, 1]} : vector<1x336xf32> to vector<1x16xf32>
    %reduce_sum3A_51 = vector.shape_cast %slice3A_50 : vector<1x16xf32> to vector<1x1x16xf32>
    %reduce_sum3A_52 = arith.constant dense<0.000000e+00> : vector<1xf32>
    %reduce_sum3A_53 = vector.multi_reduction <add>, %reduce_sum3A_51, %reduce_sum3A_52 [1, 2] : vector<1x1x16xf32> to vector<1xf32>
    %reduce_sum3A_54 = vector.shape_cast %reduce_sum3A_53 : vector<1xf32> to vector<1x1x1xf32>
    %reduce_sum3A_55 = vector.extract %reduce_sum3A_54[0, 0, 0] : f32 from vector<1x1x1xf32>
    %get3A_56 = arith.constant 4 : index
    %get3A_57 = arith.constant 0 : index
    %get3A_58 = vector.load %arg1[%get3A_56, %get3A_57] : memref<21x128xf32, #tpu.memory_space<vmem>>, vector<1x128xf32>
    %mul3A_59 = vector.broadcast %reduce_sum3A_55 : f32 to vector<1x128xf32>
    %mul3A_60 = arith.mulf %mul3A_59, %get3A_58 : vector<1x128xf32>
    %add3A_61 = arith.addf %add3A_49, %mul3A_60 : vector<1x128xf32>
    %slice3A_62 = vector.extract_strided_slice %broadcast_in_dim3A {offsets = [0, 80], sizes = [1, 16], strides = [1, 1]} : vector<1x336xf32> to vector<1x16xf32>
    %reduce_sum3A_63 = vector.shape_cast %slice3A_62 : vector<1x16xf32> to vector<1x1x16xf32>
    %reduce_sum3A_64 = arith.constant dense<0.000000e+00> : vector<1xf32>
    %reduce_sum3A_65 = vector.multi_reduction <add>, %reduce_sum3A_63, %reduce_sum3A_64 [1, 2] : vector<1x1x16xf32> to vector<1xf32>
    %reduce_sum3A_66 = vector.shape_cast %reduce_sum3A_65 : vector<1xf32> to vector<1x1x1xf32>
    %reduce_sum3A_67 = vector.extract %reduce_sum3A_66[0, 0, 0] : f32 from vector<1x1x1xf32>
    %get3A_68 = arith.constant 5 : index
    %get3A_69 = arith.constant 0 : index
    %get3A_70 = vector.load %arg1[%get3A_68, %get3A_69] : memref<21x128xf32, #tpu.memory_space<vmem>>, vector<1x128xf32>
    %mul3A_71 = vector.broadcast %reduce_sum3A_67 : f32 to vector<1x128xf32>
    %mul3A_72 = arith.mulf %mul3A_71, %get3A_70 : vector<1x128xf32>
    %add3A_73 = arith.addf %add3A_61, %mul3A_72 : vector<1x128xf32>
    %slice3A_74 = vector.extract_strided_slice %broadcast_in_dim3A {offsets = [0, 96], sizes = [1, 16], strides = [1, 1]} : vector<1x336xf32> to vector<1x16xf32>
    %reduce_sum3A_75 = vector.shape_cast %slice3A_74 : vector<1x16xf32> to vector<1x1x16xf32>
    %reduce_sum3A_76 = arith.constant dense<0.000000e+00> : vector<1xf32>
    %reduce_sum3A_77 = vector.multi_reduction <add>, %reduce_sum3A_75, %reduce_sum3A_76 [1, 2] : vector<1x1x16xf32> to vector<1xf32>
    %reduce_sum3A_78 = vector.shape_cast %reduce_sum3A_77 : vector<1xf32> to vector<1x1x1xf32>
    %reduce_sum3A_79 = vector.extract %reduce_sum3A_78[0, 0, 0] : f32 from vector<1x1x1xf32>
    %get3A_80 = arith.constant 6 : index
    %get3A_81 = arith.constant 0 : index
    %get3A_82 = vector.load %arg1[%get3A_80, %get3A_81] : memref<21x128xf32, #tpu.memory_space<vmem>>, vector<1x128xf32>
    %mul3A_83 = vector.broadcast %reduce_sum3A_79 : f32 to vector<1x128xf32>
    %mul3A_84 = arith.mulf %mul3A_83, %get3A_82 : vector<1x128xf32>
    %add3A_85 = arith.addf %add3A_73, %mul3A_84 : vector<1x128xf32>
    %slice3A_86 = vector.extract_strided_slice %broadcast_in_dim3A {offsets = [0, 112], sizes = [1, 16], strides = [1, 1]} : vector<1x336xf32> to vector<1x16xf32>
    %reduce_sum3A_87 = vector.shape_cast %slice3A_86 : vector<1x16xf32> to vector<1x1x16xf32>
    %reduce_sum3A_88 = arith.constant dense<0.000000e+00> : vector<1xf32>
    %reduce_sum3A_89 = vector.multi_reduction <add>, %reduce_sum3A_87, %reduce_sum3A_88 [1, 2] : vector<1x1x16xf32> to vector<1xf32>
    %reduce_sum3A_90 = vector.shape_cast %reduce_sum3A_89 : vector<1xf32> to vector<1x1x1xf32>
    %reduce_sum3A_91 = vector.extract %reduce_sum3A_90[0, 0, 0] : f32 from vector<1x1x1xf32>
    %get3A_92 = arith.constant 7 : index
    %get3A_93 = arith.constant 0 : index
    %get3A_94 = vector.load %arg1[%get3A_92, %get3A_93] : memref<21x128xf32, #tpu.memory_space<vmem>>, vector<1x128xf32>
    %mul3A_95 = vector.broadcast %reduce_sum3A_91 : f32 to vector<1x128xf32>
    %mul3A_96 = arith.mulf %mul3A_95, %get3A_94 : vector<1x128xf32>
    %add3A_97 = arith.addf %add3A_85, %mul3A_96 : vector<1x128xf32>
    %slice3A_98 = vector.extract_strided_slice %broadcast_in_dim3A {offsets = [0, 128], sizes = [1, 16], strides = [1, 1]} : vector<1x336xf32> to vector<1x16xf32>
    %reduce_sum3A_99 = vector.shape_cast %slice3A_98 : vector<1x16xf32> to vector<1x1x16xf32>
    %reduce_sum3A_100 = arith.constant dense<0.000000e+00> : vector<1xf32>
    %reduce_sum3A_101 = vector.multi_reduction <add>, %reduce_sum3A_99, %reduce_sum3A_100 [1, 2] : vector<1x1x16xf32> to vector<1xf32>
    %reduce_sum3A_102 = vector.shape_cast %reduce_sum3A_101 : vector<1xf32> to vector<1x1x1xf32>
    %reduce_sum3A_103 = vector.extract %reduce_sum3A_102[0, 0, 0] : f32 from vector<1x1x1xf32>
    %get3A_104 = arith.constant 8 : index
    %get3A_105 = arith.constant 0 : index
    %get3A_106 = vector.load %arg1[%get3A_104, %get3A_105] : memref<21x128xf32, #tpu.memory_space<vmem>>, vector<1x128xf32>
    %mul3A_107 = vector.broadcast %reduce_sum3A_103 : f32 to vector<1x128xf32>
    %mul3A_108 = arith.mulf %mul3A_107, %get3A_106 : vector<1x128xf32>
    %add3A_109 = arith.addf %add3A_97, %mul3A_108 : vector<1x128xf32>
    %slice3A_110 = vector.extract_strided_slice %broadcast_in_dim3A {offsets = [0, 144], sizes = [1, 16], strides = [1, 1]} : vector<1x336xf32> to vector<1x16xf32>
    %reduce_sum3A_111 = vector.shape_cast %slice3A_110 : vector<1x16xf32> to vector<1x1x16xf32>
    %reduce_sum3A_112 = arith.constant dense<0.000000e+00> : vector<1xf32>
    %reduce_sum3A_113 = vector.multi_reduction <add>, %reduce_sum3A_111, %reduce_sum3A_112 [1, 2] : vector<1x1x16xf32> to vector<1xf32>
    %reduce_sum3A_114 = vector.shape_cast %reduce_sum3A_113 : vector<1xf32> to vector<1x1x1xf32>
    %reduce_sum3A_115 = vector.extract %reduce_sum3A_114[0, 0, 0] : f32 from vector<1x1x1xf32>
    %get3A_116 = arith.constant 9 : index
    %get3A_117 = arith.constant 0 : index
    %get3A_118 = vector.load %arg1[%get3A_116, %get3A_117] : memref<21x128xf32, #tpu.memory_space<vmem>>, vector<1x128xf32>
    %mul3A_119 = vector.broadcast %reduce_sum3A_115 : f32 to vector<1x128xf32>
    %mul3A_120 = arith.mulf %mul3A_119, %get3A_118 : vector<1x128xf32>
    %add3A_121 = arith.addf %add3A_109, %mul3A_120 : vector<1x128xf32>
    %slice3A_122 = vector.extract_strided_slice %broadcast_in_dim3A {offsets = [0, 160], sizes = [1, 16], strides = [1, 1]} : vector<1x336xf32> to vector<1x16xf32>
    %reduce_sum3A_123 = vector.shape_cast %slice3A_122 : vector<1x16xf32> to vector<1x1x16xf32>
    %reduce_sum3A_124 = arith.constant dense<0.000000e+00> : vector<1xf32>
    %reduce_sum3A_125 = vector.multi_reduction <add>, %reduce_sum3A_123, %reduce_sum3A_124 [1, 2] : vector<1x1x16xf32> to vector<1xf32>
    %reduce_sum3A_126 = vector.shape_cast %reduce_sum3A_125 : vector<1xf32> to vector<1x1x1xf32>
    %reduce_sum3A_127 = vector.extract %reduce_sum3A_126[0, 0, 0] : f32 from vector<1x1x1xf32>
    %get3A_128 = arith.constant 10 : index
    %get3A_129 = arith.constant 0 : index
    %get3A_130 = vector.load %arg1[%get3A_128, %get3A_129] : memref<21x128xf32, #tpu.memory_space<vmem>>, vector<1x128xf32>
    %mul3A_131 = vector.broadcast %reduce_sum3A_127 : f32 to vector<1x128xf32>
    %mul3A_132 = arith.mulf %mul3A_131, %get3A_130 : vector<1x128xf32>
    %add3A_133 = arith.addf %add3A_121, %mul3A_132 : vector<1x128xf32>
    %slice3A_134 = vector.extract_strided_slice %broadcast_in_dim3A {offsets = [0, 176], sizes = [1, 16], strides = [1, 1]} : vector<1x336xf32> to vector<1x16xf32>
    %reduce_sum3A_135 = vector.shape_cast %slice3A_134 : vector<1x16xf32> to vector<1x1x16xf32>
    %reduce_sum3A_136 = arith.constant dense<0.000000e+00> : vector<1xf32>
    %reduce_sum3A_137 = vector.multi_reduction <add>, %reduce_sum3A_135, %reduce_sum3A_136 [1, 2] : vector<1x1x16xf32> to vector<1xf32>
    %reduce_sum3A_138 = vector.shape_cast %reduce_sum3A_137 : vector<1xf32> to vector<1x1x1xf32>
    %reduce_sum3A_139 = vector.extract %reduce_sum3A_138[0, 0, 0] : f32 from vector<1x1x1xf32>
    %get3A_140 = arith.constant 11 : index
    %get3A_141 = arith.constant 0 : index
    %get3A_142 = vector.load %arg1[%get3A_140, %get3A_141] : memref<21x128xf32, #tpu.memory_space<vmem>>, vector<1x128xf32>
    %mul3A_143 = vector.broadcast %reduce_sum3A_139 : f32 to vector<1x128xf32>
    %mul3A_144 = arith.mulf %mul3A_143, %get3A_142 : vector<1x128xf32>
    %add3A_145 = arith.addf %add3A_133, %mul3A_144 : vector<1x128xf32>
    %slice3A_146 = vector.extract_strided_slice %broadcast_in_dim3A {offsets = [0, 192], sizes = [1, 16], strides = [1, 1]} : vector<1x336xf32> to vector<1x16xf32>
    %reduce_sum3A_147 = vector.shape_cast %slice3A_146 : vector<1x16xf32> to vector<1x1x16xf32>
    %reduce_sum3A_148 = arith.constant dense<0.000000e+00> : vector<1xf32>
    %reduce_sum3A_149 = vector.multi_reduction <add>, %reduce_sum3A_147, %reduce_sum3A_148 [1, 2] : vector<1x1x16xf32> to vector<1xf32>
    %reduce_sum3A_150 = vector.shape_cast %reduce_sum3A_149 : vector<1xf32> to vector<1x1x1xf32>
    %reduce_sum3A_151 = vector.extract %reduce_sum3A_150[0, 0, 0] : f32 from vector<1x1x1xf32>
    %get3A_152 = arith.constant 12 : index
    %get3A_153 = arith.constant 0 : index
    %get3A_154 = vector.load %arg1[%get3A_152, %get3A_153] : memref<21x128xf32, #tpu.memory_space<vmem>>, vector<1x128xf32>
    %mul3A_155 = vector.broadcast %reduce_sum3A_151 : f32 to vector<1x128xf32>
    %mul3A_156 = arith.mulf %mul3A_155, %get3A_154 : vector<1x128xf32>
    %add3A_157 = arith.addf %add3A_145, %mul3A_156 : vector<1x128xf32>
    %slice3A_158 = vector.extract_strided_slice %broadcast_in_dim3A {offsets = [0, 208], sizes = [1, 16], strides = [1, 1]} : vector<1x336xf32> to vector<1x16xf32>
    %reduce_sum3A_159 = vector.shape_cast %slice3A_158 : vector<1x16xf32> to vector<1x1x16xf32>
    %reduce_sum3A_160 = arith.constant dense<0.000000e+00> : vector<1xf32>
    %reduce_sum3A_161 = vector.multi_reduction <add>, %reduce_sum3A_159, %reduce_sum3A_160 [1, 2] : vector<1x1x16xf32> to vector<1xf32>
    %reduce_sum3A_162 = vector.shape_cast %reduce_sum3A_161 : vector<1xf32> to vector<1x1x1xf32>
    %reduce_sum3A_163 = vector.extract %reduce_sum3A_162[0, 0, 0] : f32 from vector<1x1x1xf32>
    %get3A_164 = arith.constant 13 : index
    %get3A_165 = arith.constant 0 : index
    %get3A_166 = vector.load %arg1[%get3A_164, %get3A_165] : memref<21x128xf32, #tpu.memory_space<vmem>>, vector<1x128xf32>
    %mul3A_167 = vector.broadcast %reduce_sum3A_163 : f32 to vector<1x128xf32>
    %mul3A_168 = arith.mulf %mul3A_167, %get3A_166 : vector<1x128xf32>
    %add3A_169 = arith.addf %add3A_157, %mul3A_168 : vector<1x128xf32>
    %slice3A_170 = vector.extract_strided_slice %broadcast_in_dim3A {offsets = [0, 224], sizes = [1, 16], strides = [1, 1]} : vector<1x336xf32> to vector<1x16xf32>
    %reduce_sum3A_171 = vector.shape_cast %slice3A_170 : vector<1x16xf32> to vector<1x1x16xf32>
    %reduce_sum3A_172 = arith.constant dense<0.000000e+00> : vector<1xf32>
    %reduce_sum3A_173 = vector.multi_reduction <add>, %reduce_sum3A_171, %reduce_sum3A_172 [1, 2] : vector<1x1x16xf32> to vector<1xf32>
    %reduce_sum3A_174 = vector.shape_cast %reduce_sum3A_173 : vector<1xf32> to vector<1x1x1xf32>
    %reduce_sum3A_175 = vector.extract %reduce_sum3A_174[0, 0, 0] : f32 from vector<1x1x1xf32>
    %get3A_176 = arith.constant 14 : index
    %get3A_177 = arith.constant 0 : index
    %get3A_178 = vector.load %arg1[%get3A_176, %get3A_177] : memref<21x128xf32, #tpu.memory_space<vmem>>, vector<1x128xf32>
    %mul3A_179 = vector.broadcast %reduce_sum3A_175 : f32 to vector<1x128xf32>
    %mul3A_180 = arith.mulf %mul3A_179, %get3A_178 : vector<1x128xf32>
    %add3A_181 = arith.addf %add3A_169, %mul3A_180 : vector<1x128xf32>
    %slice3A_182 = vector.extract_strided_slice %broadcast_in_dim3A {offsets = [0, 240], sizes = [1, 16], strides = [1, 1]} : vector<1x336xf32> to vector<1x16xf32>
    %reduce_sum3A_183 = vector.shape_cast %slice3A_182 : vector<1x16xf32> to vector<1x1x16xf32>
    %reduce_sum3A_184 = arith.constant dense<0.000000e+00> : vector<1xf32>
    %reduce_sum3A_185 = vector.multi_reduction <add>, %reduce_sum3A_183, %reduce_sum3A_184 [1, 2] : vector<1x1x16xf32> to vector<1xf32>
    %reduce_sum3A_186 = vector.shape_cast %reduce_sum3A_185 : vector<1xf32> to vector<1x1x1xf32>
    %reduce_sum3A_187 = vector.extract %reduce_sum3A_186[0, 0, 0] : f32 from vector<1x1x1xf32>
    %get3A_188 = arith.constant 15 : index
    %get3A_189 = arith.constant 0 : index
    %get3A_190 = vector.load %arg1[%get3A_188, %get3A_189] : memref<21x128xf32, #tpu.memory_space<vmem>>, vector<1x128xf32>
    %mul3A_191 = vector.broadcast %reduce_sum3A_187 : f32 to vector<1x128xf32>
    %mul3A_192 = arith.mulf %mul3A_191, %get3A_190 : vector<1x128xf32>
    %add3A_193 = arith.addf %add3A_181, %mul3A_192 : vector<1x128xf32>
    %slice3A_194 = vector.extract_strided_slice %broadcast_in_dim3A {offsets = [0, 256], sizes = [1, 16], strides = [1, 1]} : vector<1x336xf32> to vector<1x16xf32>
    %reduce_sum3A_195 = vector.shape_cast %slice3A_194 : vector<1x16xf32> to vector<1x1x16xf32>
    %reduce_sum3A_196 = arith.constant dense<0.000000e+00> : vector<1xf32>
    %reduce_sum3A_197 = vector.multi_reduction <add>, %reduce_sum3A_195, %reduce_sum3A_196 [1, 2] : vector<1x1x16xf32> to vector<1xf32>
    %reduce_sum3A_198 = vector.shape_cast %reduce_sum3A_197 : vector<1xf32> to vector<1x1x1xf32>
    %reduce_sum3A_199 = vector.extract %reduce_sum3A_198[0, 0, 0] : f32 from vector<1x1x1xf32>
    %get3A_200 = arith.constant 16 : index
    %get3A_201 = arith.constant 0 : index
    %get3A_202 = vector.load %arg1[%get3A_200, %get3A_201] : memref<21x128xf32, #tpu.memory_space<vmem>>, vector<1x128xf32>
    %mul3A_203 = vector.broadcast %reduce_sum3A_199 : f32 to vector<1x128xf32>
    %mul3A_204 = arith.mulf %mul3A_203, %get3A_202 : vector<1x128xf32>
    %add3A_205 = arith.addf %add3A_193, %mul3A_204 : vector<1x128xf32>
    %slice3A_206 = vector.extract_strided_slice %broadcast_in_dim3A {offsets = [0, 272], sizes = [1, 16], strides = [1, 1]} : vector<1x336xf32> to vector<1x16xf32>
    %reduce_sum3A_207 = vector.shape_cast %slice3A_206 : vector<1x16xf32> to vector<1x1x16xf32>
    %reduce_sum3A_208 = arith.constant dense<0.000000e+00> : vector<1xf32>
    %reduce_sum3A_209 = vector.multi_reduction <add>, %reduce_sum3A_207, %reduce_sum3A_208 [1, 2] : vector<1x1x16xf32> to vector<1xf32>
    %reduce_sum3A_210 = vector.shape_cast %reduce_sum3A_209 : vector<1xf32> to vector<1x1x1xf32>
    %reduce_sum3A_211 = vector.extract %reduce_sum3A_210[0, 0, 0] : f32 from vector<1x1x1xf32>
    %get3A_212 = arith.constant 17 : index
    %get3A_213 = arith.constant 0 : index
    %get3A_214 = vector.load %arg1[%get3A_212, %get3A_213] : memref<21x128xf32, #tpu.memory_space<vmem>>, vector<1x128xf32>
    %mul3A_215 = vector.broadcast %reduce_sum3A_211 : f32 to vector<1x128xf32>
    %mul3A_216 = arith.mulf %mul3A_215, %get3A_214 : vector<1x128xf32>
    %add3A_217 = arith.addf %add3A_205, %mul3A_216 : vector<1x128xf32>
    %slice3A_218 = vector.extract_strided_slice %broadcast_in_dim3A {offsets = [0, 288], sizes = [1, 16], strides = [1, 1]} : vector<1x336xf32> to vector<1x16xf32>
    %reduce_sum3A_219 = vector.shape_cast %slice3A_218 : vector<1x16xf32> to vector<1x1x16xf32>
    %reduce_sum3A_220 = arith.constant dense<0.000000e+00> : vector<1xf32>
    %reduce_sum3A_221 = vector.multi_reduction <add>, %reduce_sum3A_219, %reduce_sum3A_220 [1, 2] : vector<1x1x16xf32> to vector<1xf32>
    %reduce_sum3A_222 = vector.shape_cast %reduce_sum3A_221 : vector<1xf32> to vector<1x1x1xf32>
    %reduce_sum3A_223 = vector.extract %reduce_sum3A_222[0, 0, 0] : f32 from vector<1x1x1xf32>
    %get3A_224 = arith.constant 18 : index
    %get3A_225 = arith.constant 0 : index
    %get3A_226 = vector.load %arg1[%get3A_224, %get3A_225] : memref<21x128xf32, #tpu.memory_space<vmem>>, vector<1x128xf32>
    %mul3A_227 = vector.broadcast %reduce_sum3A_223 : f32 to vector<1x128xf32>
    %mul3A_228 = arith.mulf %mul3A_227, %get3A_226 : vector<1x128xf32>
    %add3A_229 = arith.addf %add3A_217, %mul3A_228 : vector<1x128xf32>
    %slice3A_230 = vector.extract_strided_slice %broadcast_in_dim3A {offsets = [0, 304], sizes = [1, 16], strides = [1, 1]} : vector<1x336xf32> to vector<1x16xf32>
    %reduce_sum3A_231 = vector.shape_cast %slice3A_230 : vector<1x16xf32> to vector<1x1x16xf32>
    %reduce_sum3A_232 = arith.constant dense<0.000000e+00> : vector<1xf32>
    %reduce_sum3A_233 = vector.multi_reduction <add>, %reduce_sum3A_231, %reduce_sum3A_232 [1, 2] : vector<1x1x16xf32> to vector<1xf32>
    %reduce_sum3A_234 = vector.shape_cast %reduce_sum3A_233 : vector<1xf32> to vector<1x1x1xf32>
    %reduce_sum3A_235 = vector.extract %reduce_sum3A_234[0, 0, 0] : f32 from vector<1x1x1xf32>
    %get3A_236 = arith.constant 19 : index
    %get3A_237 = arith.constant 0 : index
    %get3A_238 = vector.load %arg1[%get3A_236, %get3A_237] : memref<21x128xf32, #tpu.memory_space<vmem>>, vector<1x128xf32>
    %mul3A_239 = vector.broadcast %reduce_sum3A_235 : f32 to vector<1x128xf32>
    %mul3A_240 = arith.mulf %mul3A_239, %get3A_238 : vector<1x128xf32>
    %add3A_241 = arith.addf %add3A_229, %mul3A_240 : vector<1x128xf32>
    %slice3A_242 = vector.extract_strided_slice %broadcast_in_dim3A {offsets = [0, 320], sizes = [1, 16], strides = [1, 1]} : vector<1x336xf32> to vector<1x16xf32>
    %reduce_sum3A_243 = vector.shape_cast %slice3A_242 : vector<1x16xf32> to vector<1x1x16xf32>
    %reduce_sum3A_244 = arith.constant dense<0.000000e+00> : vector<1xf32>
    %reduce_sum3A_245 = vector.multi_reduction <add>, %reduce_sum3A_243, %reduce_sum3A_244 [1, 2] : vector<1x1x16xf32> to vector<1xf32>
    %reduce_sum3A_246 = vector.shape_cast %reduce_sum3A_245 : vector<1xf32> to vector<1x1x1xf32>
    %reduce_sum3A_247 = vector.extract %reduce_sum3A_246[0, 0, 0] : f32 from vector<1x1x1xf32>
    %get3A_248 = arith.constant 20 : index
    %get3A_249 = arith.constant 0 : index
    %get3A_250 = vector.load %arg1[%get3A_248, %get3A_249] : memref<21x128xf32, #tpu.memory_space<vmem>>, vector<1x128xf32>
    %mul3A_251 = vector.broadcast %reduce_sum3A_247 : f32 to vector<1x128xf32>
    %mul3A_252 = arith.mulf %mul3A_251, %get3A_250 : vector<1x128xf32>
    %add3A_253 = arith.addf %add3A_241, %mul3A_252 : vector<1x128xf32>
    %mul3A_254 = arith.constant 1.22070313E-4 : f32
    %mul3A_255 = vector.broadcast %mul3A_254 : f32 to vector<1x128xf32>
    %mul3A_256 = arith.mulf %add3A_253, %mul3A_255 : vector<1x128xf32>
    %reduce_sum3A_257 = vector.shape_cast %mul3A_256 : vector<1x128xf32> to vector<1x1x128xf32>
    %reduce_sum3A_258 = arith.constant dense<0.000000e+00> : vector<1xf32>
    %reduce_sum3A_259 = vector.multi_reduction <add>, %reduce_sum3A_257, %reduce_sum3A_258 [1, 2] : vector<1x1x128xf32> to vector<1xf32>
    %reduce_sum3A_260 = vector.shape_cast %reduce_sum3A_259 : vector<1xf32> to vector<1x1x1xf32>
    %reduce_sum3A_261 = vector.extract %reduce_sum3A_260[0, 0, 0] : f32 from vector<1x1x1xf32>
    %div3A = arith.constant 1.280000e+02 : f32
    %div3A_262 = arith.divf %reduce_sum3A_261, %div3A : f32
    %sub3A = vector.broadcast %div3A_262 : f32 to vector<1x128xf32>
    %sub3A_263 = arith.subf %mul3A_256, %sub3A : vector<1x128xf32>
    %integer_pow3A = arith.mulf %sub3A_263, %sub3A_263 : vector<1x128xf32>
    %reduce_sum3A_264 = vector.shape_cast %integer_pow3A : vector<1x128xf32> to vector<1x1x128xf32>
    %reduce_sum3A_265 = arith.constant dense<0.000000e+00> : vector<1xf32>
    %reduce_sum3A_266 = vector.multi_reduction <add>, %reduce_sum3A_264, %reduce_sum3A_265 [1, 2] : vector<1x1x128xf32> to vector<1xf32>
    %reduce_sum3A_267 = vector.shape_cast %reduce_sum3A_266 : vector<1xf32> to vector<1x1x1xf32>
    %reduce_sum3A_268 = vector.extract %reduce_sum3A_267[0, 0, 0] : f32 from vector<1x1x1xf32>
    %div3A_269 = arith.constant 1.280000e+02 : f32
    %div3A_270 = arith.divf %reduce_sum3A_268, %div3A_269 : f32
    %sub3A_271 = vector.broadcast %div3A_262 : f32 to vector<1x128xf32>
    %sub3A_272 = arith.subf %mul3A_256, %sub3A_271 : vector<1x128xf32>
    %add3A_273 = arith.constant 9.99999974E-6 : f32
    %add3A_274 = arith.addf %div3A_270, %add3A_273 : f32
    %rsqrt3A = math.rsqrt %add3A_274 : f32
    %mul3A_275 = vector.broadcast %rsqrt3A : f32 to vector<1x128xf32>
    %mul3A_276 = arith.mulf %sub3A_272, %mul3A_275 : vector<1x128xf32>
    %get3A_277 = arith.constant 0 : index
    %get3A_278 = arith.constant 0 : index
    %get3A_279 = vector.load %arg2[%get3A_277, %get3A_278] : memref<1x128xf32, #tpu.memory_space<vmem>>, vector<1x128xf32>
    %mul3A_280 = arith.mulf %mul3A_276, %get3A_279 : vector<1x128xf32>
    %get3A_281 = arith.constant 0 : index
    %get3A_282 = arith.constant 0 : index
    %get3A_283 = vector.load %arg3[%get3A_281, %get3A_282] : memref<1x128xf32, #tpu.memory_space<vmem>>, vector<1x128xf32>
    %add3A_284 = arith.addf %mul3A_280, %get3A_283 : vector<1x128xf32>
    %get3A_285 = arith.constant 0 : index
    %get3A_286 = arith.constant 0 : index
    %get3A_287 = vector.load %arg4[%get3A_285, %get3A_286] : memref<128x256xf32, #tpu.memory_space<vmem>>, vector<128x256xf32>
    %dot_general3A = arith.constant dense<0.000000e+00> : vector<1x256xf32>
    %dot_general3A_288 = tpu.matmul %add3A_284, %get3A_287, %dot_general3A {dimension_numbers = #tpu.dot_dimension_numbers<[1], [0], [0], [1], [0, 0, 1, 1], [], []>, transpose_lhs_hint = false} : vector<1x128xf32>, vector<128x256xf32>, vector<1x256xf32> -> vector<1x256xf32>
    %get3A_289 = arith.constant 0 : index
    %get3A_290 = arith.constant 0 : index
    %get3A_291 = vector.load %arg5[%get3A_289, %get3A_290] : memref<1x256xf32, #tpu.memory_space<vmem>>, vector<1x256xf32>
    %add3A_292 = arith.addf %dot_general3A_288, %get3A_291 : vector<1x256xf32>
    %mul3A_293 = arith.constant 5.000000e-01 : f32
    %mul3A_294 = vector.broadcast %mul3A_293 : f32 to vector<1x256xf32>
    %mul3A_295 = arith.mulf %mul3A_294, %add3A_292 : vector<1x256xf32>
    %mul3A_296 = arith.constant 0.707106769 : f32
    %mul3A_297 = vector.broadcast %mul3A_296 : f32 to vector<1x256xf32>
    %mul3A_298 = arith.mulf %add3A_292, %mul3A_297 : vector<1x256xf32>
    %erf3A = math.erf %mul3A_298 : vector<1x256xf32>
    %add3A_299 = arith.constant 1.000000e+00 : f32
    %add3A_300 = vector.broadcast %add3A_299 : f32 to vector<1x256xf32>
    %add3A_301 = arith.addf %add3A_300, %erf3A : vector<1x256xf32>
    %mul3A_302 = arith.mulf %mul3A_295, %add3A_301 : vector<1x256xf32>
    %get3A_303 = arith.constant 0 : index
    %get3A_304 = arith.constant 0 : index
    %get3A_305 = vector.load %arg6[%get3A_303, %get3A_304] : memref<256x128xf32, #tpu.memory_space<vmem>>, vector<256x128xf32>
    %dot_general3A_306 = arith.constant dense<0.000000e+00> : vector<1x128xf32>
    %dot_general3A_307 = tpu.matmul %mul3A_302, %get3A_305, %dot_general3A_306 {dimension_numbers = #tpu.dot_dimension_numbers<[1], [0], [0], [1], [0, 0, 1, 1], [], []>, transpose_lhs_hint = false} : vector<1x256xf32>, vector<256x128xf32>, vector<1x128xf32> -> vector<1x128xf32>
    %get3A_308 = arith.constant 0 : index
    %get3A_309 = arith.constant 0 : index
    %get3A_310 = vector.load %arg7[%get3A_308, %get3A_309] : memref<1x128xf32, #tpu.memory_space<vmem>>, vector<1x128xf32>
    %add3A_311 = arith.addf %dot_general3A_307, %get3A_310 : vector<1x128xf32>
    %swap3A = arith.constant 0 : index
    %swap3A_312 = arith.constant 0 : index
    %swap3A_313 = vector.load %arg8[%swap3A, %swap3A_312] : memref<1x128xf32, #tpu.memory_space<vmem>>, vector<1x128xf32>
    tpu.vector_store %arg8[%swap3A, %swap3A_312], %add3A_311 {strides = array<i32>} : memref<1x128xf32, #tpu.memory_space<vmem>>, vector<1x128xf32>,
    return
  }
}

</mosaic_0001>

<sc_bundles>
// kernel: kernel.4.cloned.1.call-start
scs
__scs_entry_jumppad:
0x0: {  	(pc) =	sbr.rel $0x88, $3  }
0x1: {  	(tag) =	ssettag $0x0;
	lr =	simm.s32 $0x1  }
0x2: {  	[smem:$0x3F99] =	sst lr;
	_ =	strace $0xD0000000  }
0x3: {  	_ = 	snop  }
0x4: {  	_ = 	snop  }
0x5: {  	_ = 	snop  }
0x6: {  	_ = 	snop  }
0x7: {  	_ = 	snop  }
__scs_overlays_trampoline_lowered:
0x8: {  	[smem:$0x3FA8] =	sst s0  }
0x9: {  	[smem:$0x3FA9] =	sst s1  }
0xa: {  	[smem:$0x3FAA] =	sst s2  }
0xb: {  	[smem:$0x3FAB] =	sst s3  }
0xc: {  	[smem:$0x3FAC] =	sst s4  }
0xd: {  	[smem:$0x3FAD] =	sst s5  }
0xe: {  	[smem:$0x3FAE] =	sst s6  }
0xf: {  	[smem:$0x3FAF] =	sst s7  }
0x10: {  	[smem:$0x3FB0] =	sst s8  }
0x11: {  	[smem:$0x3FB1] =	sst s9;
	s0 =	simm.s32 @!p0 $0x0  }
0x12: {  	s1 =	sld [smem:$0x3F97];
	s0 =	simm.s32 @p0 $0x1  }
0x13: {  	[smem:$0x3FB2] =	sst s0;
	s0 =	simm.s32 @!p1 $0x0  }
0x14: {  	s2 =	sld [smem:$0x3F96];
	s0 =	simm.s32 @p1 $0x1  }
0x15: {  	[smem:$0x3FB3] =	sst s0;
	s0 =	simm.s32 @!p2 $0x0  }
0x16: {  	s3 =	sld [smem:$0x3FDB];
	s0 =	simm.s32 @p2 $0x1  }
0x17: {  	s4 =	simm.s32 $0x1BF5;
	[smem:$0x3FB5] =	sst s0  }
0x18: {  	s0 =	sld [smem:$0x3F98];
	_ =	swait.ge [sflag:s4], $0x0  }
0x19: {  	s7 =	sld [smem:$0x3F99]  }
0x1a: {  	s8 =	sadd.s32 $0xFFFFE003, lr  }
0x1b: {  	s9 =	sadd.s32 $0xFFFFFEF7, lr;
	s5 =	simm.s32 $0xFFFFFFFF;
	p2 =	slt.u32 s8, $0xFFFFF086  }
0x1c: {  	p1 =	slt.u32 s9, $0xF7A;
	s5 =	simm.s32 @!p2 $0x0  }
0x1d: {  	s5 =	simm.s32 @p1 $0x1;
	p0 =	seq.s32 s7, s2  }
0x1e: {  	s7 =	smul.u32 @!p0 $0xF7A, s2;
	p2 =	seq.s32 @!p0 s5, $0x0  }
0x1f: {  	s9 =	smul.u32 $0xF7A, s1;
	s8 =	simm.s32 @!p0 $0x1BF5;
	p2 =	por !p2, p0  }
0x20: {  	[sflag:s8] =	ssyncset.s32 @!p0 $0xFFFFF086;
	s6 =	sadd.s32 @!p0 s3, s7;
	s7 =	simm.s32 @!p0 $0x108  }
0x21: {  	s3 =	sadd.s32 s3, s9;
	s6 =	sadd.s32 @!p0 $0x88, s6;
	s7 =	simm.s32 @p2 $0x1082  }
0x22: {  	[simem:s7], [sflag:s8] =	dma.local @!p0 [hbm:s6], $0xF7A  }
0x23: {  	s9 =	sor.u32 $0xD0000000, s2;
	s6 =	simm.s32 $0x108;
	_ =	swait.ge @!p0 [sflag:s8], $0x0  }
0x24: {  	s3 =	sadd.s32 $0x88, s3;
	s6 =	simm.s32 @!p1 $0x1082;
	[sflag:s4] =	ssyncset.s32 $0xFFFFF086  }
0x25: {  	[simem:s6], [sflag:s4] =	dma.local [hbm:s3], $0xF7A  }
0x26: {  	[smem:$0x3F99] =	sst s1;
	(tag) =	ssettag s2;
	_ =	strace s9  }
0x27: {  	s1 =	sld [smem:$0x3FA9]  }
0x28: {  	s2 =	sld [smem:$0x3FAA]  }
0x29: {  	s4 =	sld [smem:$0x3FAC]  }
0x2a: {  	p0 =	seq.s32 s5, $0x0;
	s5 =	sld [smem:$0x3FAD]  }
0x2b: {  	s6 =	sld [smem:$0x3FAE]  }
0x2c: {  	s7 =	sld [smem:$0x3FAF]  }
0x2d: {  	s3 =	simm.s32 $0x108;
	s8 =	sld [smem:$0x3FB0]  }
0x2e: {  	s3 =	simm.s32 @!p0 $0x1082;
	s9 =	sld [smem:$0x3FB1]  }
0x2f: {  	lr =	sadd.s32 s0, s3;
	s0 =	sld [smem:$0x3FA8]  }
0x30: {  	s3 =	sld [smem:$0x3FAB]  }
0x31: {  	[smem:$0x3FB4] =	sst s10  }
0x32: {  	s10 =	sld [smem:$0x3FB2];
	_ =	sdelay $0x3  }
0x33: {  	p0 =	seq.s32 s10, $0x1;
	s10 =	sld [smem:$0x3FB4];
	_ =	sdelay $0x3  }
0x34: {  	[smem:$0x3FB4] =	sst s10  }
0x35: {  	s10 =	sld [smem:$0x3FB3];
	_ =	sdelay $0x3  }
0x36: {  	p1 =	seq.s32 s10, $0x1;
	s10 =	sld [smem:$0x3FB4];
	_ =	sdelay $0x3  }
0x37: {  	[smem:$0x3FB4] =	sst s10  }
0x38: {  	s10 =	sld [smem:$0x3FB5]  }
0x39: {  	_ = 	snop;
	(pc) =	sbr.ind lr, $3  }
0x3a: {  	_ = 	snop  }
0x3b: {  	_ = 	snop  }
0x3c: {  	p2 =	seq.s32 s10, $0x1;
	s10 =	sld [smem:$0x3FB4]  }
0x3d: {  	_ =	shalt  }
0x3e: {  	_ =	shalt  }
0x3f: {  	_ =	shalt  }
0x40: {  	_ =	shalt  }
0x41: {  	_ =	shalt  }
0x42: {  	_ =	shalt  }
0x43: {  	_ =	shalt  }
0x44: {  	_ =	shalt  }
0x45: {  	_ =	shalt  }
0x46: {  	_ =	shalt  }
0x47: {  	_ =	shalt  }
0x48: {  	_ =	shalt  }
0x49: {  	_ =	shalt  }
0x4a: {  	_ =	shalt  }
0x4b: {  	_ =	shalt  }
0x4c: {  	_ =	shalt  }
0x4d: {  	_ =	shalt  }
0x4e: {  	_ =	shalt  }
0x4f: {  	_ =	shalt  }
0x50: {  	_ =	shalt  }
0x51: {  	_ =	shalt  }
0x52: {  	_ =	shalt  }
0x53: {  	_ =	shalt  }
0x54: {  	_ =	shalt  }
0x55: {  	_ =	shalt  }
0x56: {  	_ =	shalt  }
0x57: {  	_ =	shalt  }
0x58: {  	_ =	shalt  }
0x59: {  	_ =	shalt  }
0x5a: {  	_ =	shalt  }
0x5b: {  	_ =	shalt  }
0x5c: {  	_ =	shalt  }
0x5d: {  	_ =	shalt  }
0x5e: {  	_ =	shalt  }
0x5f: {  	_ =	shalt  }
0x60: {  	_ =	shalt  }
0x61: {  	_ =	shalt  }
0x62: {  	_ =	shalt  }
0x63: {  	_ =	shalt  }
0x64: {  	_ =	shalt  }
0x65: {  	_ =	shalt  }
0x66: {  	_ =	shalt  }
0x67: {  	_ =	shalt  }
0x68: {  	_ =	shalt  }
0x69: {  	_ =	shalt  }
0x6a: {  	_ =	shalt  }
0x6b: {  	_ =	shalt  }
0x6c: {  	_ =	shalt  }
0x6d: {  	_ =	shalt  }
0x6e: {  	_ =	shalt  }
0x6f: {  	_ =	shalt  }
0x70: {  	_ =	shalt  }
0x71: {  	_ =	shalt  }
0x72: {  	_ =	shalt  }
0x73: {  	_ =	shalt  }
0x74: {  	_ =	shalt  }
0x75: {  	_ =	shalt  }
0x76: {  	_ =	shalt  }
0x77: {  	_ =	shalt  }
0x78: {  	_ =	shalt  }
0x79: {  	_ =	shalt  }
0x7a: {  	_ =	shalt  }
0x7b: {  	_ =	shalt  }
0x7c: {  	_ =	shalt  }
0x7d: {  	_ =	shalt  }
0x7e: {  	_ =	shalt  }
0x7f: {  	_ =	shalt  }
0x80: {  	_ =	shalt  }
0x81: {  	_ =	shalt  }
0x82: {  	_ =	shalt  }
0x83: {  	_ =	shalt  }
0x84: {  	_ =	shalt  }
0x85: {  	_ =	shalt  }
0x86: {  	_ =	shalt  }
0x87: {  	_ =	shalt  }
.Lfunc_end0:
.L_simem_size_0:
called_computation_lowered:
.L_overlay_start_0:
0x88: {  	s0 =	sld [smem:$0x3FD9]  }
0x89: {  	s1 =	sld [smem:$0x3FFE];
	_ =	sdelay $0x3  }
0x8a: {  	s0 =	sadd.s32 s1, s0  }
0x8b: {  	[smem:$0x3FC0] =	sst s0  }
0x8c: {  	_ = 	snop  }
0x8d: {  	s0 =	sld [smem:$0x3FC9];
	(tm) =	ssettm $0x1  }
0x8e: {  	s16 =	sld [smem:$0x3FFB];
	_ =	sdelay $0x3  }
0x8f: {  	_ =	strace s16  }
0x90: {  	s1 =	sld [smem:$0x3FFC];
	_ =	sdelay $0x3  }
0x91: {  	_ =	strace s1  }
0x92: {  	s1 =	sld [smem:$0x3FFD];
	_ =	sdelay $0x3  }
0x93: {  	_ =	strace s1  }
0x94: {  	_ =	strace $0x8FFFFFFF  }
0x95: {  	s17 =	sld [smem:$0x3FDB];
	_ =	sdelay $0x1  }
0x96: {  	s2 =	simm.s32 $_scs_section_size  }
0x97: {  	s3 =	simm.s32 $_size__tile_overlayer_lowered;
	s4 =	simm.s32 $_tile_overlayer_lowered  }
0x98: {  	s20 =	simm.s32 $0x1BFF;
	s19 =	sshll.u32 s4, $0x1;
	s1 =	sadd.s32 s2, s17  }
0x99: {  	s5 =	simm.s32 $0x0;
	s18 =	sshll.u32 s3, $0x1;
	s3 =	sadd.s32 s19, s1  }
0x9a: {  	[timem:s5], [sflag:s20] =	dma.local [hbm:s3], s18  }
0x9b: {  	_ =	swait.ge [sflag:s20], s18  }
0x9c: {  	s2 =	ssub.s32 $0x0, s18;
	[sflag:s20] =	ssyncset.done $0x0  }
0x9d: {  	[sflag:s20] =	ssyncadd.s32 s2;
	_ =	sdelay $0x1  }
0x9e: {  	s21 =	simm.s32 $0x1B8B  }
0x9f: {  	_ =	swait.ge [sflag:s21], $0x1  }
0xa0: {  	[sflag:s21] =	ssyncset.done $0x0  }
0xa1: {  	s23 =	simm.s32 $0x1B8E;
	s22 =	sld [smem:$0x3FFE];
	[sflag:s21] =	ssyncadd.s32 $0xFFFFFFFF  }
0xa2: {  	s24 =	simm.s32 $execute0_lowered;
	[smem:$0x3FD2] =	sst s23  }
0xa3: {  	s3 =	sshll.u32 s24, $0x1;
	_ =	strace $0x80000046;
	[dreg:$0x1] =	wrdreg $0xFFFFFFFF  }
0xa4: {  	s25 =	simm.s32 $_size_execute0_lowered;
	s1 =	sadd.s32 s1, s3;
	[dreg:$0x0] =	wrdreg $0x0  }
0xa5: {  	s3 =	sshll.u32 s25, $0x1;
	[dreg:$0x2] =	wrdreg s1  }
0xa6: {  	[dreg:$0x3] =	wrdreg s3  }
0xa7: {  	[dreg:$0x4] =	wrdreg $0xC0  }
0xa8: {  	_ =	task [dreg:s5], $0x5FFFF  }
0xa9: {  	[dreg:$0x1] =	wrdreg $0xFFFFFFFF  }
0xaa: {  	[dreg:$0x0] =	wrdreg $0x60  }
0xab: {  	[dreg:$0x2] =	wrdreg s0  }
0xac: {  	[dreg:$0x3] =	wrdreg s22  }
0xad: {  	[dreg:$0x4] =	wrdreg $0x9  }
0xae: {  	_ =	task.clear_ibuf [dreg:s5], $0x5FFFF;
	_ =	strace $0x90000046  }
0xaf: {  	s26 =	simm.s32 $0x9;
	_ =	strace $0x80000048  }
0xb0: {  	_ =	swait.ge [sflag:s26], $0x1  }
0xb1: {  	[sflag:s26] =	ssyncadd.s32 $0xFFFFFFFF  }
0xb2: {  	_ =	strace $0x90000048  }
0xb3: {  	_ =	sfence  }
0xb4: {  	s28 =	sld [smem:$0x0];
	_ =	sdelay $0x1  }
0xb5: {  	s29 =	srdreg.scid  }
0xb6: {  	s30 =	sshll.u32 s29, $0xD;
	s31 =	sshrl.u32 s29, $0x2  }
0xb7: {  	s2 =	sand.u32 $0x4000, s30;
	s1 =	sand.u32 $0x1, s29;
	s0 =	sadd.s32 s31, s28  }
0xb8: {  	s1 =	sor.u32 s2, s1;
	s0 =	sshll.u32 s0, $0x11  }
0xb9: {  	s0 =	sor.u32 s0, s1  }
0xba: {  	s0 =	sadd.s32 $0x8F2B, s0  }
0xbb: {  	[sflag:s0] =	ssyncadd.remote.s32 $0x1  }
0xbc: {  	_ =	sfence.sel $0xFFFF  }
0xbd: {  	[dreg:$0x0] =	wrdreg $0xFFFFFFFF;
	(pc) =	sbr.abs _section_cstart, $3  }
0xbe: {  	[dreg:$0x1] =	wrdreg $0xFFFFFFFF  }
0xbf: {  	_ =	task.clear_ibuf [dreg:s5], $0x2FFFF;
	_ =	strace $0x9FFFFFFF  }
0xc0: {  	(tm) =	ssettm $0x7FFFFFFF  }
0xc1: {  	_ =	shalt  }
tec
execute0_lowered:
.L_overlay_start_1:
0x0: {  	(tag) =	ssettag $0x1  }
0x1: {  	s2 =	rddreg [dreg:$0x0]  }
0x2: {  	s3 =	rddreg [dreg:$0x1];
	s4 =	simm.s32 $0x0;
	s1 =	stileid.u32  }
0x3: {  	[smem:$0x7FF] =	sst s4;
	s5 =	sshll.u32 s1, $0x6  }
0x4: {  	s0 =	rddreg [dreg:$0x2];
	_ =	strace $0x80000047;
	s2 =	sadd.s32 s2, s5  }
0x5: {  	v0 =	vimm.s32 $0x0;
	[tilespmem:s4], [sflag:$0x1] =	stream.linear.gather [hbm4b:s2+s4], $0x200, $0x38;
	[tilespmem:$0x380] =	vst v63  }
0x6: {  	[tilespmem:$0x200] =	vst v0  }
0x7: {  	[tilespmem:$0x210] =	vst v0  }
0x8: {  	[tilespmem:$0x220] =	vst v0  }
0x9: {  	[tilespmem:$0x230] =	vst v0  }
0xa: {  	[tilespmem:$0x240] =	vst v0  }
0xb: {  	[tilespmem:$0x250] =	vst v0  }
0xc: {  	[tilespmem:$0x260] =	vst v0  }
0xd: {  	[tilespmem:$0x270] =	vst v0  }
0xe: {  	[tilespmem:$0x280] =	vst v0  }
0xf: {  	[tilespmem:$0x290] =	vst v0  }
0x10: {  	[tilespmem:$0x2A0] =	vst v0  }
0x11: {  	[tilespmem:$0x2B0] =	vst v0  }
0x12: {  	[tilespmem:$0x2C0] =	vst v0  }
0x13: {  	[tilespmem:$0x2D0] =	vst v0  }
0x14: {  	[tilespmem:$0x2E0] =	vst v0  }
0x15: {  	[tilespmem:$0x2F0] =	vst v0  }
0x16: {  	[tilespmem:$0x300] =	vst v0  }
0x17: {  	[tilespmem:$0x310] =	vst v0  }
0x18: {  	[tilespmem:$0x320] =	vst v0  }
0x19: {  	[tilespmem:$0x330] =	vst v0  }
0x1a: {  	s31 =	simm.s32 $0x1;
	[tilespmem:$0x340] =	vst v0  }
0x1b: {  	_ =	swait.ge [sflag:s31], $0x200  }
0x1c: {  	s5 =	simm.s32 $0x0;
	s2 =	sadd.s32 $0x1400, s3;
	[sflag:s31] =	ssyncset.done $0x0  }
0x1d: {  	v1 =	vlaneseq.u32;
	s3 =	simm.s32 $0x200;
	s4 =	simm.s32 $0x40;
	v0 =	vimm.s32 $0x1;
	[sflag:s31] =	ssyncadd.s32 $0xFFFFFE00  }
.LBB2_1:
0x1e: {  	p0 =	sne.s32 s4, $0x7C0;
	v2 =	vld [tilespmem:s5+$0x0];
	_ =	sdelay $0x4  }
0x1f: {  	v2 =	vshll.u32 v2, $0x4  }
0x20: {  	v2 =	vor.u32 v1, v2  }
.Ltmp0:
0x21: {  	(pc) =	sbr.rel @p0 .LBB2_1-.Ltmp0, $2  }
0x22: {  	_ =	sdelay $0x2  }
0x23: {  	s5 =	sshra.s32 s4, $0x2;
	s4 =	sadd.s32 $0x40, s4;
	[tilespmem:v2+s3+$0x0] =	vst.idx.add.s32.msk $0xffff, v0  }
0x24: {  	v2 =	vld [tilespmem:s5+$0x0];
	_ =	sdelay $0x4  }
0x25: {  	v2 =	vshll.u32 v2, $0x4  }
0x26: {  	s4 =	sshrl.u32 s1, $0x3;
	v1 =	vor.u32 v1, v2  }
0x27: {  	s26 =	sshll.u32 s1, $0x7;
	s4 =	smul.u32 $0xC00, s4  }
0x28: {  	s5 =	sand.u32 $0x380, s26  }
0x29: {  	s4 =	sor.u32 s5, s4  }
0x2a: {  	s28 =	simm.s32 $0x80;
	s29 =	simm.s32 $0x400;
	s4 =	sshrl.u32 s4, $0x3  }
0x2b: {  	s30 =	simm.s32 $0x200;
	s31 =	simm.s32 $0x2;
	s2 =	sadd.s32 s2, s4;
	[tilespmem:v1+s3+$0x0] =	vst.idx.add.s32.msk $0xffff, v0  }
0x2c: {  	[hbm4b:s2+s28] =	stream.strided.scatter [tilespmem:s30], [sflag:$0x2], $0x180, s29, s28, $0x38;
	[tilespmem:$0x380] =	vst v63  }
0x2d: {  	_ =	swait.ge [sflag:s31], $0x180  }
0x2e: {  	[sflag:s31] =	ssyncset.done $0x0  }
0x2f: {  	[sflag:s31] =	ssyncadd.s32 $0xFFFFFE80  }
0x30: {  	_ =	sfence.sel $0x180000  }
0x31: {  	[bflag:$0x0] =	sbarrier.arrive $0xFFFF  }
0x32: {  	p0 =	sne.s32 s1, $0x0;
	_ =	strace $0x90000047  }
0x33: {  	s0 =	sadd.s32 @!p0 $0x100000, s0;
	[bflag:$0x2] =	sbarrier.arrive $0xFFFF  }
0x34: {  	[sflag:s0] =	ssyncadd.tile.s32 @!p0 $0x1;
	_ =	shalt  }
.Lfunc_end2:
_tile_overlayer_lowered:
.L_overlay_start_2:
0x35: {  	(tag) =	ssettag $0x2  }
0x36: {  	s0 =	rddreg [dreg:$0x0];
	s2 =	stileid.u32  }
0x37: {  	s1 =	rddreg [dreg:$0x1];
	p0 =	sne.s32 s2, $0x0  }
0x38: {  	s3 =	rddreg [dreg:$0x2];
	[bflag:$0x3] =	sbarrier.arrive $0xFFFF;
	s2 =	simm.s32 @!p0 $0x1C02  }
0x39: {  	[timem:s3], [sflag:s2] =	dma.local @!p0 [hbm:s0], s1  }
0x3a: {  	s0 =	simm.s32 @!p0 $0x2  }
0x3b: {  	_ =	swait.ge @!p0 [sflag:s0], s1  }
0x3c: {  	s1 =	ssub.s32 @!p0 $0x0, s1;
	[sflag:s0] =	ssyncset.done @!p0 $0x0  }
0x3d: {  	[sflag:s0] =	ssyncadd.s32 @!p0 s1  }
0x3e: {  	[bflag:$0x3] =	sbarrier.arrive $0xFFFF  }
0x3f: {  	_ =	shalt  }

</sc_bundles>
